<compile_context>
chip_gen: v7x
topology: tpu7x:2x2x1
jax: 0.10.2.dev20260603
libtpu: 0.0.44.dev20260713+nightly
codegen_flags: <defaults>
</compile_context>

<pallas_src>
import functools

import jax
import jax.numpy as jnp
from jax import lax
from jax.experimental import pallas as pl
from jax.experimental.pallas import tpu as pltpu
from jax.experimental.pallas import tpu_sc as plsc

_EMB_DIM = 64
_HALF = 32
_BATCH = 16384
_NC = 2
_NS = 16
_NW = _NC * _NS
_B_PER_W = _BATCH // _NW


def _gather_body(ent_hbm, rel_hbm, h_idx_hbm, t_idx_hbm, r_idx_hbm,
                 h_out, t_out, r_out,
                 h_iv, t_iv, r_iv, h_rows, t_rows, r_rows,
                 sem_h, sem_t, sem_r):
    wid = lax.axis_index("s") * _NC + lax.axis_index("c")
    base = wid * _B_PER_W
    pltpu.sync_copy(h_idx_hbm.at[pl.ds(base, _B_PER_W)], h_iv)
    pltpu.sync_copy(t_idx_hbm.at[pl.ds(base, _B_PER_W)], t_iv)
    pltpu.sync_copy(r_idx_hbm.at[pl.ds(base, _B_PER_W)], r_iv)
    ch = pltpu.async_copy(ent_hbm.at[h_iv], h_rows, sem_h)
    ct = pltpu.async_copy(ent_hbm.at[t_iv], t_rows, sem_t)
    cr = pltpu.async_copy(rel_hbm.at[r_iv], r_rows, sem_r)
    ch.wait()
    pltpu.sync_copy(h_rows, h_out.at[pl.ds(base, _B_PER_W)])
    ct.wait()
    pltpu.sync_copy(t_rows, t_out.at[pl.ds(base, _B_PER_W)])
    cr.wait()
    pltpu.sync_copy(r_rows, r_out.at[pl.ds(base, _B_PER_W)])


_gather3 = functools.partial(
    pl.kernel,
    out_type=[jax.ShapeDtypeStruct((_BATCH, _EMB_DIM), jnp.float32)] * 3,
    mesh=plsc.VectorSubcoreMesh(core_axis_name="c", subcore_axis_name="s"),
    scratch_types=[
        pltpu.VMEM((_B_PER_W,), jnp.int32),
        pltpu.VMEM((_B_PER_W,), jnp.int32),
        pltpu.VMEM((_B_PER_W,), jnp.int32),
        pltpu.VMEM((_B_PER_W, _EMB_DIM), jnp.float32),
        pltpu.VMEM((_B_PER_W, _EMB_DIM), jnp.float32),
        pltpu.VMEM((_B_PER_W, _EMB_DIM), jnp.float32),
        pltpu.SemaphoreType.DMA,
        pltpu.SemaphoreType.DMA,
        pltpu.SemaphoreType.DMA,
    ],
    compiler_params=pltpu.CompilerParams(use_tc_tiling_on_sc=False),
)(_gather_body)


_ROWS2 = _BATCH // 2
_CHUNK = 1024
_NCHUNK = _ROWS2 // _CHUNK


def _score_body(h_ref, t_ref, r_ref, oe_ref, oo_ref):
    def ss_step(i, acc):
        s = pl.ds(i * _CHUNK, _CHUNK)
        hh = h_ref[s, :]
        tt = t_ref[s, :]
        rr = r_ref[s, :]
        hh = hh * hh
        tt = tt * tt
        rr = rr * rr
        return (
            acc[0] + jnp.sum(hh[:, :_HALF]) + jnp.sum(hh[:, 2 * _HALF:3 * _HALF]),
            acc[1] + jnp.sum(hh[:, _HALF:2 * _HALF]) + jnp.sum(hh[:, 3 * _HALF:]),
            acc[2] + jnp.sum(tt[:, :_HALF]) + jnp.sum(tt[:, 2 * _HALF:3 * _HALF]),
            acc[3] + jnp.sum(tt[:, _HALF:2 * _HALF]) + jnp.sum(tt[:, 3 * _HALF:]),
            acc[4] + jnp.sum(rr[:, :_HALF]) + jnp.sum(rr[:, 2 * _HALF:3 * _HALF]),
            acc[5] + jnp.sum(rr[:, _HALF:2 * _HALF]) + jnp.sum(rr[:, 3 * _HALF:]),
        )

    z = jnp.float32(0)
    sh0, sh1, st0, st1, sr0, sr1 = lax.fori_loop(
        0, _NCHUNK, ss_step, (z, z, z, z, z, z))
    d0 = jnp.sqrt(sh0) * jnp.sqrt(sr0) * jnp.sqrt(st0)
    d1 = jnp.sqrt(sh1) * jnp.sqrt(sr1) * jnp.sqrt(st1)

    def sc_step(i, carry):
        s = pl.ds(i * _CHUNK, _CHUNK)
        m = h_ref[s, :] * r_ref[s, :] * t_ref[s, :]
        for ofs, oref in ((0, oe_ref), (2 * _HALF, oo_ref)):
            acc = None
            for half, d in ((0, d0), (1, d1)):
                p = 1.0 - m[:, ofs + half * _HALF:ofs + (half + 1) * _HALF] / d
                w = _HALF
                while w > 1:
                    w //= 2
                    p = p[:, :w] * p[:, w:2 * w]
                score = 1.0 - p[:, 0]
                acc = -score if acc is None else acc - score
            oref[s] = acc
        return carry

    lax.fori_loop(0, _NCHUNK, sc_step, 0)


def kernel(ent_embeddings, rel_embeddings, predict_h, predict_t, predict_r):
    h_idx = predict_h.astype(jnp.int32)
    t_idx = predict_t.astype(jnp.int32)
    r_idx = predict_r.astype(jnp.int32)
    h_rows, t_rows, r_rows = _gather3(
        ent_embeddings, rel_embeddings, h_idx, t_idx, r_idx)
    even, odd = pl.pallas_call(
        _score_body,
        out_shape=[jax.ShapeDtypeStruct((_ROWS2,), jnp.float32)] * 2,
    )(h_rows.reshape(_ROWS2, 2 * _EMB_DIM),
      t_rows.reshape(_ROWS2, 2 * _EMB_DIM),
      r_rows.reshape(_ROWS2, 2 * _EMB_DIM))
    return jnp.stack([even, odd], axis=1).reshape(-1)

# --- scband reference (transcript-rebuilt; emitter-appended) ---
"""Pipeline reference for scband-tract-or-64398739636925 (READ-ONLY COPY).

The authoritative reference and input builder live on the scoring server;
editing this copy changes nothing except your own understanding.
"""

import jax, jax.numpy as jnp
import numpy as np

ENT_TOTAL = 1000000
REL_TOTAL = 1000
HIDDEN_SIZE = 32
N_MIX = 2
BATCH = 16384
EMB_DIM = HIDDEN_SIZE * N_MIX


def setup_inputs(seed: int = 0) -> dict:
    key = jax.random.key(seed)
    k1, k2, k3, k4, k5 = jax.random.split(key, 5)
    ent_embeddings = jax.random.normal(k1, (ENT_TOTAL, EMB_DIM), dtype=jnp.float32) * 0.05
    rel_embeddings = jax.random.normal(k2, (REL_TOTAL, EMB_DIM), dtype=jnp.float32) * 0.05
    predict_h = jax.random.randint(k3, (BATCH,), 0, ENT_TOTAL)
    predict_t = jax.random.randint(k4, (BATCH,), 0, ENT_TOTAL)
    predict_r = jax.random.randint(k5, (BATCH,), 0, REL_TOTAL)
    return {
        "ent_embeddings": ent_embeddings,
        "rel_embeddings": rel_embeddings,
        "predict_h": predict_h,
        "predict_t": predict_t,
        "predict_r": predict_r,
    }


def _calc(h, t, r):
    # Faithful to TF: tf.norm with no axis is the global Frobenius norm of the whole tensor
    denom = jnp.linalg.norm(h) * jnp.linalg.norm(r) * jnp.linalg.norm(t)
    return 1.0 - jnp.prod(1.0 - h * r * t / denom, axis=-1)


def reference(ent_embeddings, rel_embeddings, predict_h, predict_t, predict_r):
    pred = None
    for i in range(N_MIX):
        lo = i * HIDDEN_SIZE
        hi = (i + 1) * HIDDEN_SIZE
        h_e = jnp.take(ent_embeddings[:, lo:hi], predict_h, axis=0)
        t_e = jnp.take(ent_embeddings[:, lo:hi], predict_t, axis=0)
        r_e = jnp.take(rel_embeddings[:, lo:hi], predict_r, axis=0)
        score = _calc(h_e, t_e, r_e)
        if pred is None:
            pred = -score
        else:
            pred = pred - score
    return pred

if __name__ == "__main__":
    import jax
    _d = setup_inputs()
    print(jax.jit(kernel)(*tuple(_d.values())))

</pallas_src>

<mosaic_0001>
#map = affine_map<(d0, d1) -> (0, 0)>
#map1 = affine_map<(d0, d1) -> (0)>
module attributes {stable_mosaic.version = 14 : i64} {
  func.func @_gather_body(%arg0: i32, %arg1: i32, %arg2: memref<1000000x64xf32, #tpu.memory_space<hbm>>, %arg3: memref<1000x64xf32, #tpu.memory_space<hbm>>, %arg4: memref<16384xi32, #tpu.memory_space<hbm>>, %arg5: memref<16384xi32, #tpu.memory_space<hbm>>, %arg6: memref<16384xi32, #tpu.memory_space<hbm>>, %arg7: memref<16384x64xf32, #tpu.memory_space<hbm>>, %arg8: memref<16384x64xf32, #tpu.memory_space<hbm>>, %arg9: memref<16384x64xf32, #tpu.memory_space<hbm>>, %arg10: memref<512xi32, #tpu.memory_space<vmem>>, %arg11: memref<512xi32, #tpu.memory_space<vmem>>, %arg12: memref<512xi32, #tpu.memory_space<vmem>>, %arg13: memref<512x64xf32, #tpu.memory_space<vmem>>, %arg14: memref<512x64xf32, #tpu.memory_space<vmem>>, %arg15: memref<512x64xf32, #tpu.memory_space<vmem>>, %arg16: memref<!tpu.dma_semaphore, #tpu.memory_space<semaphore_mem>>, %arg17: memref<!tpu.dma_semaphore, #tpu.memory_space<semaphore_mem>>, %arg18: memref<!tpu.dma_semaphore, #tpu.memory_space<semaphore_mem>>) attributes {dimension_semantics = [#tpu.dimension_semantics<core_parallel>, #tpu.dimension_semantics<subcore_parallel>], iteration_bounds = array<i64: 2, 16>, scalar_prefetch = 0 : i64, scratch_operands = 9 : i64, tpu.core_type = #tpu.core_type<sc_vector_subcore>, window_params = [{transform_indices = #map}, {transform_indices = #map}, {transform_indices = #map1}, {transform_indices = #map1}, {transform_indices = #map1}, {transform_indices = #map}, {transform_indices = #map}, {transform_indices = #map}]} {
    %mul3A = arith.constant 2 : i32
    %mul3A_0 = arith.muli %arg1, %mul3A : i32
    %add3A = arith.addi %mul3A_0, %arg0 : i32
    %mul3A_1 = arith.constant 512 : i32
    %mul3A_2 = arith.muli %add3A, %mul3A_1 : i32
    "tpu.region"() ({
      %run_scoped3A = tpu.sem_alloc : memref<!tpu.dma_semaphore, #tpu.memory_space<semaphore_mem>>
      %dma_start3A_19 = tpu.memref_slice %arg4[%mul3A_2] : memref<16384xi32, #tpu.memory_space<hbm>> -> memref<512xi32, #tpu.memory_space<hbm>>
      %dma_start3A_20 = tpu.memref_slice %arg4[%mul3A_2] : memref<16384xi32, #tpu.memory_space<hbm>> -> memref<512xi32, #tpu.memory_space<hbm>>
      tpu.enqueue_dma source(%dma_start3A_20 : memref<512xi32, #tpu.memory_space<hbm>>) target(%arg10 : memref<512xi32, #tpu.memory_space<vmem>>) target_semaphore(%run_scoped3A : memref<!tpu.dma_semaphore, #tpu.memory_space<semaphore_mem>>)
      %dma_wait3A_21 = tpu.memref_slice %arg4[%mul3A_2] : memref<16384xi32, #tpu.memory_space<hbm>> -> memref<512xi32, #tpu.memory_space<hbm>>
      %dma_wait3A_22 = tpu.memref_slice %arg4[%mul3A_2] : memref<16384xi32, #tpu.memory_space<hbm>> -> memref<512xi32, #tpu.memory_space<hbm>>
      tpu.wait_dma2 semaphore(%run_scoped3A : memref<!tpu.dma_semaphore, #tpu.memory_space<semaphore_mem>>) src(%dma_wait3A_22 : memref<512xi32, #tpu.memory_space<hbm>>) dst(%arg10 : memref<512xi32, #tpu.memory_space<vmem>>)
      tpu.yield
    }) : () -> ()
    "tpu.region"() ({
      %run_scoped3A = tpu.sem_alloc : memref<!tpu.dma_semaphore, #tpu.memory_space<semaphore_mem>>
      %dma_start3A_19 = tpu.memref_slice %arg5[%mul3A_2] : memref<16384xi32, #tpu.memory_space<hbm>> -> memref<512xi32, #tpu.memory_space<hbm>>
      %dma_start3A_20 = tpu.memref_slice %arg5[%mul3A_2] : memref<16384xi32, #tpu.memory_space<hbm>> -> memref<512xi32, #tpu.memory_space<hbm>>
      tpu.enqueue_dma source(%dma_start3A_20 : memref<512xi32, #tpu.memory_space<hbm>>) target(%arg11 : memref<512xi32, #tpu.memory_space<vmem>>) target_semaphore(%run_scoped3A : memref<!tpu.dma_semaphore, #tpu.memory_space<semaphore_mem>>)
      %dma_wait3A_21 = tpu.memref_slice %arg5[%mul3A_2] : memref<16384xi32, #tpu.memory_space<hbm>> -> memref<512xi32, #tpu.memory_space<hbm>>
      %dma_wait3A_22 = tpu.memref_slice %arg5[%mul3A_2] : memref<16384xi32, #tpu.memory_space<hbm>> -> memref<512xi32, #tpu.memory_space<hbm>>
      tpu.wait_dma2 semaphore(%run_scoped3A : memref<!tpu.dma_semaphore, #tpu.memory_space<semaphore_mem>>) src(%dma_wait3A_22 : memref<512xi32, #tpu.memory_space<hbm>>) dst(%arg11 : memref<512xi32, #tpu.memory_space<vmem>>)
      tpu.yield
    }) : () -> ()
    "tpu.region"() ({
      %run_scoped3A = tpu.sem_alloc : memref<!tpu.dma_semaphore, #tpu.memory_space<semaphore_mem>>
      %dma_start3A_19 = tpu.memref_slice %arg6[%mul3A_2] : memref<16384xi32, #tpu.memory_space<hbm>> -> memref<512xi32, #tpu.memory_space<hbm>>
      %dma_start3A_20 = tpu.memref_slice %arg6[%mul3A_2] : memref<16384xi32, #tpu.memory_space<hbm>> -> memref<512xi32, #tpu.memory_space<hbm>>
      tpu.enqueue_dma source(%dma_start3A_20 : memref<512xi32, #tpu.memory_space<hbm>>) target(%arg12 : memref<512xi32, #tpu.memory_space<vmem>>) target_semaphore(%run_scoped3A : memref<!tpu.dma_semaphore, #tpu.memory_space<semaphore_mem>>)
      %dma_wait3A_21 = tpu.memref_slice %arg6[%mul3A_2] : memref<16384xi32, #tpu.memory_space<hbm>> -> memref<512xi32, #tpu.memory_space<hbm>>
      %dma_wait3A_22 = tpu.memref_slice %arg6[%mul3A_2] : memref<16384xi32, #tpu.memory_space<hbm>> -> memref<512xi32, #tpu.memory_space<hbm>>
      tpu.wait_dma2 semaphore(%run_scoped3A : memref<!tpu.dma_semaphore, #tpu.memory_space<semaphore_mem>>) src(%dma_wait3A_22 : memref<512xi32, #tpu.memory_space<hbm>>) dst(%arg12 : memref<512xi32, #tpu.memory_space<vmem>>)
      tpu.yield
    }) : () -> ()
    %dma_start3A = arith.constant 0 : i32
    %dma_start3A_3 = arith.constant 0 : i32
    %dma_start3A_4 = tpu.memref_slice %arg2[%dma_start3A, %dma_start3A_3] : memref<1000000x64xf32, #tpu.memory_space<hbm>> -> memref<1000000x64xf32, #tpu.memory_space<hbm>>
    tpu.enqueue_indirect_dma source(%dma_start3A_4 : memref<1000000x64xf32, #tpu.memory_space<hbm>>) target(%arg13 : memref<512x64xf32, #tpu.memory_space<vmem>>) offsets(%arg10 : memref<512xi32, #tpu.memory_space<vmem>>) semaphore(%arg16 : memref<!tpu.dma_semaphore, #tpu.memory_space<semaphore_mem>>)
    %dma_start3A_5 = arith.constant 0 : i32
    %dma_start3A_6 = arith.constant 0 : i32
    %dma_start3A_7 = tpu.memref_slice %arg2[%dma_start3A_5, %dma_start3A_6] : memref<1000000x64xf32, #tpu.memory_space<hbm>> -> memref<1000000x64xf32, #tpu.memory_space<hbm>>
    tpu.enqueue_indirect_dma source(%dma_start3A_7 : memref<1000000x64xf32, #tpu.memory_space<hbm>>) target(%arg14 : memref<512x64xf32, #tpu.memory_space<vmem>>) offsets(%arg11 : memref<512xi32, #tpu.memory_space<vmem>>) semaphore(%arg17 : memref<!tpu.dma_semaphore, #tpu.memory_space<semaphore_mem>>)
    %dma_start3A_8 = arith.constant 0 : i32
    %dma_start3A_9 = arith.constant 0 : i32
    %dma_start3A_10 = tpu.memref_slice %arg3[%dma_start3A_8, %dma_start3A_9] : memref<1000x64xf32, #tpu.memory_space<hbm>> -> memref<1000x64xf32, #tpu.memory_space<hbm>>
    tpu.enqueue_indirect_dma source(%dma_start3A_10 : memref<1000x64xf32, #tpu.memory_space<hbm>>) target(%arg15 : memref<512x64xf32, #tpu.memory_space<vmem>>) offsets(%arg12 : memref<512xi32, #tpu.memory_space<vmem>>) semaphore(%arg18 : memref<!tpu.dma_semaphore, #tpu.memory_space<semaphore_mem>>)
    %dma_wait3A = arith.constant 0 : i32
    %dma_wait3A_11 = arith.constant 0 : i32
    %dma_wait3A_12 = tpu.memref_slice %arg2[%dma_wait3A, %dma_wait3A_11] : memref<1000000x64xf32, #tpu.memory_space<hbm>> -> memref<1000000x64xf32, #tpu.memory_space<hbm>>
    tpu.wait_indirect_dma semaphore(%arg16 : memref<!tpu.dma_semaphore, #tpu.memory_space<semaphore_mem>>) src(%dma_wait3A_12 : memref<1000000x64xf32, #tpu.memory_space<hbm>>) dst(%arg13 : memref<512x64xf32, #tpu.memory_space<vmem>>)
    "tpu.region"() ({
      %run_scoped3A = tpu.sem_alloc : memref<!tpu.dma_semaphore, #tpu.memory_space<semaphore_mem>>
      %dma_start3A_19 = arith.constant 0 : i32
      %dma_start3A_20 = tpu.memref_slice %arg7[%mul3A_2, %dma_start3A_19] : memref<16384x64xf32, #tpu.memory_space<hbm>> -> memref<512x64xf32, #tpu.memory_space<hbm>>
      %dma_start3A_21 = arith.constant 0 : i32
      %dma_start3A_22 = tpu.memref_slice %arg7[%mul3A_2, %dma_start3A_21] : memref<16384x64xf32, #tpu.memory_space<hbm>> -> memref<512x64xf32, #tpu.memory_space<hbm>>
      tpu.enqueue_dma source(%arg13 : memref<512x64xf32, #tpu.memory_space<vmem>>) target(%dma_start3A_22 : memref<512x64xf32, #tpu.memory_space<hbm>>) target_semaphore(%run_scoped3A : memref<!tpu.dma_semaphore, #tpu.memory_space<semaphore_mem>>)
      %dma_wait3A_23 = arith.constant 0 : i32
      %dma_wait3A_24 = tpu.memref_slice %arg7[%mul3A_2, %dma_wait3A_23] : memref<16384x64xf32, #tpu.memory_space<hbm>> -> memref<512x64xf32, #tpu.memory_space<hbm>>
      %dma_wait3A_25 = arith.constant 0 : i32
      %dma_wait3A_26 = tpu.memref_slice %arg7[%mul3A_2, %dma_wait3A_25] : memref<16384x64xf32, #tpu.memory_space<hbm>> -> memref<512x64xf32, #tpu.memory_space<hbm>>
      tpu.wait_dma2 semaphore(%run_scoped3A : memref<!tpu.dma_semaphore, #tpu.memory_space<semaphore_mem>>) src(%arg13 : memref<512x64xf32, #tpu.memory_space<vmem>>) dst(%dma_wait3A_26 : memref<512x64xf32, #tpu.memory_space<hbm>>)
      tpu.yield
    }) : () -> ()
    %dma_wait3A_13 = arith.constant 0 : i32
    %dma_wait3A_14 = arith.constant 0 : i32
    %dma_wait3A_15 = tpu.memref_slice %arg2[%dma_wait3A_13, %dma_wait3A_14] : memref<1000000x64xf32, #tpu.memory_space<hbm>> -> memref<1000000x64xf32, #tpu.memory_space<hbm>>
    tpu.wait_indirect_dma semaphore(%arg17 : memref<!tpu.dma_semaphore, #tpu.memory_space<semaphore_mem>>) src(%dma_wait3A_15 : memref<1000000x64xf32, #tpu.memory_space<hbm>>) dst(%arg14 : memref<512x64xf32, #tpu.memory_space<vmem>>)
    "tpu.region"() ({
      %run_scoped3A = tpu.sem_alloc : memref<!tpu.dma_semaphore, #tpu.memory_space<semaphore_mem>>
      %dma_start3A_19 = arith.constant 0 : i32
      %dma_start3A_20 = tpu.memref_slice %arg8[%mul3A_2, %dma_start3A_19] : memref<16384x64xf32, #tpu.memory_space<hbm>> -> memref<512x64xf32, #tpu.memory_space<hbm>>
      %dma_start3A_21 = arith.constant 0 : i32
      %dma_start3A_22 = tpu.memref_slice %arg8[%mul3A_2, %dma_start3A_21] : memref<16384x64xf32, #tpu.memory_space<hbm>> -> memref<512x64xf32, #tpu.memory_space<hbm>>
      tpu.enqueue_dma source(%arg14 : memref<512x64xf32, #tpu.memory_space<vmem>>) target(%dma_start3A_22 : memref<512x64xf32, #tpu.memory_space<hbm>>) target_semaphore(%run_scoped3A : memref<!tpu.dma_semaphore, #tpu.memory_space<semaphore_mem>>)
      %dma_wait3A_23 = arith.constant 0 : i32
      %dma_wait3A_24 = tpu.memref_slice %arg8[%mul3A_2, %dma_wait3A_23] : memref<16384x64xf32, #tpu.memory_space<hbm>> -> memref<512x64xf32, #tpu.memory_space<hbm>>
      %dma_wait3A_25 = arith.constant 0 : i32
      %dma_wait3A_26 = tpu.memref_slice %arg8[%mul3A_2, %dma_wait3A_25] : memref<16384x64xf32, #tpu.memory_space<hbm>> -> memref<512x64xf32, #tpu.memory_space<hbm>>
      tpu.wait_dma2 semaphore(%run_scoped3A : memref<!tpu.dma_semaphore, #tpu.memory_space<semaphore_mem>>) src(%arg14 : memref<512x64xf32, #tpu.memory_space<vmem>>) dst(%dma_wait3A_26 : memref<512x64xf32, #tpu.memory_space<hbm>>)
      tpu.yield
    }) : () -> ()
    %dma_wait3A_16 = arith.constant 0 : i32
    %dma_wait3A_17 = arith.constant 0 : i32
    %dma_wait3A_18 = tpu.memref_slice %arg3[%dma_wait3A_16, %dma_wait3A_17] : memref<1000x64xf32, #tpu.memory_space<hbm>> -> memref<1000x64xf32, #tpu.memory_space<hbm>>
    tpu.wait_indirect_dma semaphore(%arg18 : memref<!tpu.dma_semaphore, #tpu.memory_space<semaphore_mem>>) src(%dma_wait3A_18 : memref<1000x64xf32, #tpu.memory_space<hbm>>) dst(%arg15 : memref<512x64xf32, #tpu.memory_space<vmem>>)
    "tpu.region"() ({
      %run_scoped3A = tpu.sem_alloc : memref<!tpu.dma_semaphore, #tpu.memory_space<semaphore_mem>>
      %dma_start3A_19 = arith.constant 0 : i32
      %dma_start3A_20 = tpu.memref_slice %arg9[%mul3A_2, %dma_start3A_19] : memref<16384x64xf32, #tpu.memory_space<hbm>> -> memref<512x64xf32, #tpu.memory_space<hbm>>
      %dma_start3A_21 = arith.constant 0 : i32
      %dma_start3A_22 = tpu.memref_slice %arg9[%mul3A_2, %dma_start3A_21] : memref<16384x64xf32, #tpu.memory_space<hbm>> -> memref<512x64xf32, #tpu.memory_space<hbm>>
      tpu.enqueue_dma source(%arg15 : memref<512x64xf32, #tpu.memory_space<vmem>>) target(%dma_start3A_22 : memref<512x64xf32, #tpu.memory_space<hbm>>) target_semaphore(%run_scoped3A : memref<!tpu.dma_semaphore, #tpu.memory_space<semaphore_mem>>)
      %dma_wait3A_23 = arith.constant 0 : i32
      %dma_wait3A_24 = tpu.memref_slice %arg9[%mul3A_2, %dma_wait3A_23] : memref<16384x64xf32, #tpu.memory_space<hbm>> -> memref<512x64xf32, #tpu.memory_space<hbm>>
      %dma_wait3A_25 = arith.constant 0 : i32
      %dma_wait3A_26 = tpu.memref_slice %arg9[%mul3A_2, %dma_wait3A_25] : memref<16384x64xf32, #tpu.memory_space<hbm>> -> memref<512x64xf32, #tpu.memory_space<hbm>>
      tpu.wait_dma2 semaphore(%run_scoped3A : memref<!tpu.dma_semaphore, #tpu.memory_space<semaphore_mem>>) src(%arg15 : memref<512x64xf32, #tpu.memory_space<vmem>>) dst(%dma_wait3A_26 : memref<512x64xf32, #tpu.memory_space<hbm>>)
      tpu.yield
    }) : () -> ()
    return
  }
}

module attributes {stable_mosaic.version = 14 : i64} {
  func.func @_score_body(%arg0: memref<8192x128xf32, #tpu.memory_space<vmem>>, %arg1: memref<8192x128xf32, #tpu.memory_space<vmem>>, %arg2: memref<8192x128xf32, #tpu.memory_space<vmem>>, %arg3: memref<8192xf32, #tpu.memory_space<vmem>>, %arg4: memref<8192xf32, #tpu.memory_space<vmem>>) attributes {dimension_semantics = [], scalar_prefetch = 0 : i64, scratch_operands = 0 : i64, tpu.core_type = #tpu.core_type<tc>} {
    %scan3A = arith.constant 0.000000e+00 : f32
    %scan3A_0 = arith.constant 0.000000e+00 : f32
    %scan3A_1 = arith.constant 0.000000e+00 : f32
    %scan3A_2 = arith.constant 0.000000e+00 : f32
    %scan3A_3 = arith.constant 0.000000e+00 : f32
    %scan3A_4 = arith.constant 0.000000e+00 : f32
    %scan3A_5 = arith.constant 0 : i32
    %scan3A_6 = arith.constant 8 : i32
    %scan3A_7 = arith.addi %scan3A_5, %scan3A_6 : i32
    %scan3A_8 = arith.constant 1 : i32
    %scan3A_9:6 = scf.for %scan3A_24 = %scan3A_5 to %scan3A_7 step %scan3A_8 iter_args(%scan3A_25 = %scan3A, %scan3A_26 = %scan3A_0, %scan3A_27 = %scan3A_1, %scan3A_28 = %scan3A_2, %scan3A_29 = %scan3A_3, %scan3A_30 = %scan3A_4) -> (f32, f32, f32, f32, f32, f32)  : i32 {
      %mul3A_31 = arith.constant 1024 : i32
      %mul3A_32 = arith.muli %scan3A_24, %mul3A_31 : i32
      %get3A = arith.index_cast %mul3A_32 : i32 to index
      %get3A_33 = arith.constant 0 : index
      %get3A_34 = vector.load %arg0[%get3A, %get3A_33] : memref<8192x128xf32, #tpu.memory_space<vmem>>, vector<1024x128xf32>
      %get3A_35 = arith.index_cast %mul3A_32 : i32 to index
      %get3A_36 = arith.constant 0 : index
      %get3A_37 = vector.load %arg1[%get3A_35, %get3A_36] : memref<8192x128xf32, #tpu.memory_space<vmem>>, vector<1024x128xf32>
      %get3A_38 = arith.index_cast %mul3A_32 : i32 to index
      %get3A_39 = arith.constant 0 : index
      %get3A_40 = vector.load %arg2[%get3A_38, %get3A_39] : memref<8192x128xf32, #tpu.memory_space<vmem>>, vector<1024x128xf32>
      %mul3A_41 = arith.mulf %get3A_34, %get3A_34 : vector<1024x128xf32>
      %mul3A_42 = arith.mulf %get3A_37, %get3A_37 : vector<1024x128xf32>
      %mul3A_43 = arith.mulf %get3A_40, %get3A_40 : vector<1024x128xf32>
      %slice3A = vector.extract_strided_slice %mul3A_41 {offsets = [0, 0], sizes = [1024, 32], strides = [1, 1]} : vector<1024x128xf32> to vector<1024x32xf32>
      %reduce_sum3A = vector.shape_cast %slice3A : vector<1024x32xf32> to vector<1x1024x32xf32>
      %reduce_sum3A_44 = arith.constant dense<0.000000e+00> : vector<1xf32>
      %reduce_sum3A_45 = vector.multi_reduction <add>, %reduce_sum3A, %reduce_sum3A_44 [1, 2] : vector<1x1024x32xf32> to vector<1xf32>
      %reduce_sum3A_46 = vector.shape_cast %reduce_sum3A_45 : vector<1xf32> to vector<1x1x1xf32>
      %reduce_sum3A_47 = vector.extract %reduce_sum3A_46[0, 0, 0] : f32 from vector<1x1x1xf32>
      %add3A = arith.addf %scan3A_25, %reduce_sum3A_47 : f32
      %slice3A_48 = vector.extract_strided_slice %mul3A_41 {offsets = [0, 64], sizes = [1024, 32], strides = [1, 1]} : vector<1024x128xf32> to vector<1024x32xf32>
      %reduce_sum3A_49 = vector.shape_cast %slice3A_48 : vector<1024x32xf32> to vector<1x1024x32xf32>
      %reduce_sum3A_50 = arith.constant dense<0.000000e+00> : vector<1xf32>
      %reduce_sum3A_51 = vector.multi_reduction <add>, %reduce_sum3A_49, %reduce_sum3A_50 [1, 2] : vector<1x1024x32xf32> to vector<1xf32>
      %reduce_sum3A_52 = vector.shape_cast %reduce_sum3A_51 : vector<1xf32> to vector<1x1x1xf32>
      %reduce_sum3A_53 = vector.extract %reduce_sum3A_52[0, 0, 0] : f32 from vector<1x1x1xf32>
      %add3A_54 = arith.addf %add3A, %reduce_sum3A_53 : f32
      %slice3A_55 = vector.extract_strided_slice %mul3A_41 {offsets = [0, 32], sizes = [1024, 32], strides = [1, 1]} : vector<1024x128xf32> to vector<1024x32xf32>
      %reduce_sum3A_56 = vector.shape_cast %slice3A_55 : vector<1024x32xf32> to vector<1x1024x32xf32>
      %reduce_sum3A_57 = arith.constant dense<0.000000e+00> : vector<1xf32>
      %reduce_sum3A_58 = vector.multi_reduction <add>, %reduce_sum3A_56, %reduce_sum3A_57 [1, 2] : vector<1x1024x32xf32> to vector<1xf32>
      %reduce_sum3A_59 = vector.shape_cast %reduce_sum3A_58 : vector<1xf32> to vector<1x1x1xf32>
      %reduce_sum3A_60 = vector.extract %reduce_sum3A_59[0, 0, 0] : f32 from vector<1x1x1xf32>
      %add3A_61 = arith.addf %scan3A_26, %reduce_sum3A_60 : f32
      %slice3A_62 = vector.extract_strided_slice %mul3A_41 {offsets = [0, 96], sizes = [1024, 32], strides = [1, 1]} : vector<1024x128xf32> to vector<1024x32xf32>
      %reduce_sum3A_63 = vector.shape_cast %slice3A_62 : vector<1024x32xf32> to vector<1x1024x32xf32>
      %reduce_sum3A_64 = arith.constant dense<0.000000e+00> : vector<1xf32>
      %reduce_sum3A_65 = vector.multi_reduction <add>, %reduce_sum3A_63, %reduce_sum3A_64 [1, 2] : vector<1x1024x32xf32> to vector<1xf32>
      %reduce_sum3A_66 = vector.shape_cast %reduce_sum3A_65 : vector<1xf32> to vector<1x1x1xf32>
      %reduce_sum3A_67 = vector.extract %reduce_sum3A_66[0, 0, 0] : f32 from vector<1x1x1xf32>
      %add3A_68 = arith.addf %add3A_61, %reduce_sum3A_67 : f32
      %slice3A_69 = vector.extract_strided_slice %mul3A_42 {offsets = [0, 0], sizes = [1024, 32], strides = [1, 1]} : vector<1024x128xf32> to vector<1024x32xf32>
      %reduce_sum3A_70 = vector.shape_cast %slice3A_69 : vector<1024x32xf32> to vector<1x1024x32xf32>
      %reduce_sum3A_71 = arith.constant dense<0.000000e+00> : vector<1xf32>
      %reduce_sum3A_72 = vector.multi_reduction <add>, %reduce_sum3A_70, %reduce_sum3A_71 [1, 2] : vector<1x1024x32xf32> to vector<1xf32>
      %reduce_sum3A_73 = vector.shape_cast %reduce_sum3A_72 : vector<1xf32> to vector<1x1x1xf32>
      %reduce_sum3A_74 = vector.extract %reduce_sum3A_73[0, 0, 0] : f32 from vector<1x1x1xf32>
      %add3A_75 = arith.addf %scan3A_27, %reduce_sum3A_74 : f32
      %slice3A_76 = vector.extract_strided_slice %mul3A_42 {offsets = [0, 64], sizes = [1024, 32], strides = [1, 1]} : vector<1024x128xf32> to vector<1024x32xf32>
      %reduce_sum3A_77 = vector.shape_cast %slice3A_76 : vector<1024x32xf32> to vector<1x1024x32xf32>
      %reduce_sum3A_78 = arith.constant dense<0.000000e+00> : vector<1xf32>
      %reduce_sum3A_79 = vector.multi_reduction <add>, %reduce_sum3A_77, %reduce_sum3A_78 [1, 2] : vector<1x1024x32xf32> to vector<1xf32>
      %reduce_sum3A_80 = vector.shape_cast %reduce_sum3A_79 : vector<1xf32> to vector<1x1x1xf32>
      %reduce_sum3A_81 = vector.extract %reduce_sum3A_80[0, 0, 0] : f32 from vector<1x1x1xf32>
      %add3A_82 = arith.addf %add3A_75, %reduce_sum3A_81 : f32
      %slice3A_83 = vector.extract_strided_slice %mul3A_42 {offsets = [0, 32], sizes = [1024, 32], strides = [1, 1]} : vector<1024x128xf32> to vector<1024x32xf32>
      %reduce_sum3A_84 = vector.shape_cast %slice3A_83 : vector<1024x32xf32> to vector<1x1024x32xf32>
      %reduce_sum3A_85 = arith.constant dense<0.000000e+00> : vector<1xf32>
      %reduce_sum3A_86 = vector.multi_reduction <add>, %reduce_sum3A_84, %reduce_sum3A_85 [1, 2] : vector<1x1024x32xf32> to vector<1xf32>
      %reduce_sum3A_87 = vector.shape_cast %reduce_sum3A_86 : vector<1xf32> to vector<1x1x1xf32>
      %reduce_sum3A_88 = vector.extract %reduce_sum3A_87[0, 0, 0] : f32 from vector<1x1x1xf32>
      %add3A_89 = arith.addf %scan3A_28, %reduce_sum3A_88 : f32
      %slice3A_90 = vector.extract_strided_slice %mul3A_42 {offsets = [0, 96], sizes = [1024, 32], strides = [1, 1]} : vector<1024x128xf32> to vector<1024x32xf32>
      %reduce_sum3A_91 = vector.shape_cast %slice3A_90 : vector<1024x32xf32> to vector<1x1024x32xf32>
      %reduce_sum3A_92 = arith.constant dense<0.000000e+00> : vector<1xf32>
      %reduce_sum3A_93 = vector.multi_reduction <add>, %reduce_sum3A_91, %reduce_sum3A_92 [1, 2] : vector<1x1024x32xf32> to vector<1xf32>
      %reduce_sum3A_94 = vector.shape_cast %reduce_sum3A_93 : vector<1xf32> to vector<1x1x1xf32>
      %reduce_sum3A_95 = vector.extract %reduce_sum3A_94[0, 0, 0] : f32 from vector<1x1x1xf32>
      %add3A_96 = arith.addf %add3A_89, %reduce_sum3A_95 : f32
      %slice3A_97 = vector.extract_strided_slice %mul3A_43 {offsets = [0, 0], sizes = [1024, 32], strides = [1, 1]} : vector<1024x128xf32> to vector<1024x32xf32>
      %reduce_sum3A_98 = vector.shape_cast %slice3A_97 : vector<1024x32xf32> to vector<1x1024x32xf32>
      %reduce_sum3A_99 = arith.constant dense<0.000000e+00> : vector<1xf32>
      %reduce_sum3A_100 = vector.multi_reduction <add>, %reduce_sum3A_98, %reduce_sum3A_99 [1, 2] : vector<1x1024x32xf32> to vector<1xf32>
      %reduce_sum3A_101 = vector.shape_cast %reduce_sum3A_100 : vector<1xf32> to vector<1x1x1xf32>
      %reduce_sum3A_102 = vector.extract %reduce_sum3A_101[0, 0, 0] : f32 from vector<1x1x1xf32>
      %add3A_103 = arith.addf %scan3A_29, %reduce_sum3A_102 : f32
      %slice3A_104 = vector.extract_strided_slice %mul3A_43 {offsets = [0, 64], sizes = [1024, 32], strides = [1, 1]} : vector<1024x128xf32> to vector<1024x32xf32>
      %reduce_sum3A_105 = vector.shape_cast %slice3A_104 : vector<1024x32xf32> to vector<1x1024x32xf32>
      %reduce_sum3A_106 = arith.constant dense<0.000000e+00> : vector<1xf32>
      %reduce_sum3A_107 = vector.multi_reduction <add>, %reduce_sum3A_105, %reduce_sum3A_106 [1, 2] : vector<1x1024x32xf32> to vector<1xf32>
      %reduce_sum3A_108 = vector.shape_cast %reduce_sum3A_107 : vector<1xf32> to vector<1x1x1xf32>
      %reduce_sum3A_109 = vector.extract %reduce_sum3A_108[0, 0, 0] : f32 from vector<1x1x1xf32>
      %add3A_110 = arith.addf %add3A_103, %reduce_sum3A_109 : f32
      %slice3A_111 = vector.extract_strided_slice %mul3A_43 {offsets = [0, 32], sizes = [1024, 32], strides = [1, 1]} : vector<1024x128xf32> to vector<1024x32xf32>
      %reduce_sum3A_112 = vector.shape_cast %slice3A_111 : vector<1024x32xf32> to vector<1x1024x32xf32>
      %reduce_sum3A_113 = arith.constant dense<0.000000e+00> : vector<1xf32>
      %reduce_sum3A_114 = vector.multi_reduction <add>, %reduce_sum3A_112, %reduce_sum3A_113 [1, 2] : vector<1x1024x32xf32> to vector<1xf32>
      %reduce_sum3A_115 = vector.shape_cast %reduce_sum3A_114 : vector<1xf32> to vector<1x1x1xf32>
      %reduce_sum3A_116 = vector.extract %reduce_sum3A_115[0, 0, 0] : f32 from vector<1x1x1xf32>
      %add3A_117 = arith.addf %scan3A_30, %reduce_sum3A_116 : f32
      %slice3A_118 = vector.extract_strided_slice %mul3A_43 {offsets = [0, 96], sizes = [1024, 32], strides = [1, 1]} : vector<1024x128xf32> to vector<1024x32xf32>
      %reduce_sum3A_119 = vector.shape_cast %slice3A_118 : vector<1024x32xf32> to vector<1x1024x32xf32>
      %reduce_sum3A_120 = arith.constant dense<0.000000e+00> : vector<1xf32>
      %reduce_sum3A_121 = vector.multi_reduction <add>, %reduce_sum3A_119, %reduce_sum3A_120 [1, 2] : vector<1x1024x32xf32> to vector<1xf32>
      %reduce_sum3A_122 = vector.shape_cast %reduce_sum3A_121 : vector<1xf32> to vector<1x1x1xf32>
      %reduce_sum3A_123 = vector.extract %reduce_sum3A_122[0, 0, 0] : f32 from vector<1x1x1xf32>
      %add3A_124 = arith.addf %add3A_117, %reduce_sum3A_123 : f32
      scf.yield %add3A_54, %add3A_68, %add3A_82, %add3A_96, %add3A_110, %add3A_124 : f32, f32, f32, f32, f32, f32
    }
    %scan3A_10 = arith.constant 8 : i32
    %sqrt3A = math.sqrt %scan3A_9#0 : f32
    %sqrt3A_11 = math.sqrt %scan3A_9#4 : f32
    %mul3A = arith.mulf %sqrt3A, %sqrt3A_11 : f32
    %sqrt3A_12 = math.sqrt %scan3A_9#2 : f32
    %mul3A_13 = arith.mulf %mul3A, %sqrt3A_12 : f32
    %sqrt3A_14 = math.sqrt %scan3A_9#1 : f32
    %sqrt3A_15 = math.sqrt %scan3A_9#5 : f32
    %mul3A_16 = arith.mulf %sqrt3A_14, %sqrt3A_15 : f32
    %sqrt3A_17 = math.sqrt %scan3A_9#3 : f32
    %mul3A_18 = arith.mulf %mul3A_16, %sqrt3A_17 : f32
    %scan3A_19 = arith.constant 0 : i32
    %scan3A_20 = arith.constant 8 : i32
    %scan3A_21 = arith.addi %scan3A_19, %scan3A_20 : i32
    %scan3A_22 = arith.constant 1 : i32
    scf.for %scan3A_24 = %scan3A_19 to %scan3A_21 step %scan3A_22  : i32 {
      %mul3A_25 = arith.constant 1024 : i32
      %mul3A_26 = arith.muli %scan3A_24, %mul3A_25 : i32
      %get3A = arith.index_cast %mul3A_26 : i32 to index
      %get3A_27 = arith.constant 0 : index
      %get3A_28 = vector.load %arg0[%get3A, %get3A_27] : memref<8192x128xf32, #tpu.memory_space<vmem>>, vector<1024x128xf32>
      %get3A_29 = arith.index_cast %mul3A_26 : i32 to index
      %get3A_30 = arith.constant 0 : index
      %get3A_31 = vector.load %arg2[%get3A_29, %get3A_30] : memref<8192x128xf32, #tpu.memory_space<vmem>>, vector<1024x128xf32>
      %mul3A_32 = arith.mulf %get3A_28, %get3A_31 : vector<1024x128xf32>
      %get3A_33 = arith.index_cast %mul3A_26 : i32 to index
      %get3A_34 = arith.constant 0 : index
      %get3A_35 = vector.load %arg1[%get3A_33, %get3A_34] : memref<8192x128xf32, #tpu.memory_space<vmem>>, vector<1024x128xf32>
      %mul3A_36 = arith.mulf %mul3A_32, %get3A_35 : vector<1024x128xf32>
      %slice3A = vector.extract_strided_slice %mul3A_36 {offsets = [0, 0], sizes = [1024, 32], strides = [1, 1]} : vector<1024x128xf32> to vector<1024x32xf32>
      %div3A = vector.broadcast %mul3A_13 : f32 to vector<1024x32xf32>
      %div3A_37 = arith.divf %slice3A, %div3A : vector<1024x32xf32>
      %sub3A = arith.constant 1.000000e+00 : f32
      %sub3A_38 = vector.broadcast %sub3A : f32 to vector<1024x32xf32>
      %sub3A_39 = arith.subf %sub3A_38, %div3A_37 : vector<1024x32xf32>
      %slice3A_40 = vector.extract_strided_slice %sub3A_39 {offsets = [0, 0], sizes = [1024, 16], strides = [1, 1]} : vector<1024x32xf32> to vector<1024x16xf32>
      %slice3A_41 = vector.extract_strided_slice %sub3A_39 {offsets = [0, 16], sizes = [1024, 16], strides = [1, 1]} : vector<1024x32xf32> to vector<1024x16xf32>
      %mul3A_42 = arith.mulf %slice3A_40, %slice3A_41 : vector<1024x16xf32>
      %slice3A_43 = vector.extract_strided_slice %mul3A_42 {offsets = [0, 0], sizes = [1024, 8], strides = [1, 1]} : vector<1024x16xf32> to vector<1024x8xf32>
      %slice3A_44 = vector.extract_strided_slice %mul3A_42 {offsets = [0, 8], sizes = [1024, 8], strides = [1, 1]} : vector<1024x16xf32> to vector<1024x8xf32>
      %mul3A_45 = arith.mulf %slice3A_43, %slice3A_44 : vector<1024x8xf32>
      %slice3A_46 = vector.extract_strided_slice %mul3A_45 {offsets = [0, 0], sizes = [1024, 4], strides = [1, 1]} : vector<1024x8xf32> to vector<1024x4xf32>
      %slice3A_47 = vector.extract_strided_slice %mul3A_45 {offsets = [0, 4], sizes = [1024, 4], strides = [1, 1]} : vector<1024x8xf32> to vector<1024x4xf32>
      %mul3A_48 = arith.mulf %slice3A_46, %slice3A_47 : vector<1024x4xf32>
      %slice3A_49 = vector.extract_strided_slice %mul3A_48 {offsets = [0, 0], sizes = [1024, 2], strides = [1, 1]} : vector<1024x4xf32> to vector<1024x2xf32>
      %slice3A_50 = vector.extract_strided_slice %mul3A_48 {offsets = [0, 2], sizes = [1024, 2], strides = [1, 1]} : vector<1024x4xf32> to vector<1024x2xf32>
      %mul3A_51 = arith.mulf %slice3A_49, %slice3A_50 : vector<1024x2xf32>
      %slice3A_52 = vector.extract_strided_slice %mul3A_51 {offsets = [0, 0], sizes = [1024, 1], strides = [1, 1]} : vector<1024x2xf32> to vector<1024x1xf32>
      %slice3A_53 = vector.extract_strided_slice %mul3A_51 {offsets = [0, 1], sizes = [1024, 1], strides = [1, 1]} : vector<1024x2xf32> to vector<1024x1xf32>
      %mul3A_54 = arith.mulf %slice3A_52, %slice3A_53 : vector<1024x1xf32>
      %squeeze3A = vector.shape_cast %mul3A_54 : vector<1024x1xf32> to vector<1024xf32>
      %sub3A_55 = arith.constant 1.000000e+00 : f32
      %sub3A_56 = vector.broadcast %sub3A_55 : f32 to vector<1024xf32>
      %sub3A_57 = arith.subf %sub3A_56, %squeeze3A : vector<1024xf32>
      %neg3A = arith.constant 0.000000e+00 : f32
      %neg3A_58 = vector.broadcast %neg3A : f32 to vector<1024xf32>
      %neg3A_59 = arith.subf %neg3A_58, %sub3A_57 : vector<1024xf32>
      %slice3A_60 = vector.extract_strided_slice %mul3A_36 {offsets = [0, 32], sizes = [1024, 32], strides = [1, 1]} : vector<1024x128xf32> to vector<1024x32xf32>
      %div3A_61 = vector.broadcast %mul3A_18 : f32 to vector<1024x32xf32>
      %div3A_62 = arith.divf %slice3A_60, %div3A_61 : vector<1024x32xf32>
      %sub3A_63 = arith.constant 1.000000e+00 : f32
      %sub3A_64 = vector.broadcast %sub3A_63 : f32 to vector<1024x32xf32>
      %sub3A_65 = arith.subf %sub3A_64, %div3A_62 : vector<1024x32xf32>
      %slice3A_66 = vector.extract_strided_slice %sub3A_65 {offsets = [0, 0], sizes = [1024, 16], strides = [1, 1]} : vector<1024x32xf32> to vector<1024x16xf32>
      %slice3A_67 = vector.extract_strided_slice %sub3A_65 {offsets = [0, 16], sizes = [1024, 16], strides = [1, 1]} : vector<1024x32xf32> to vector<1024x16xf32>
      %mul3A_68 = arith.mulf %slice3A_66, %slice3A_67 : vector<1024x16xf32>
      %slice3A_69 = vector.extract_strided_slice %mul3A_68 {offsets = [0, 0], sizes = [1024, 8], strides = [1, 1]} : vector<1024x16xf32> to vector<1024x8xf32>
      %slice3A_70 = vector.extract_strided_slice %mul3A_68 {offsets = [0, 8], sizes = [1024, 8], strides = [1, 1]} : vector<1024x16xf32> to vector<1024x8xf32>
      %mul3A_71 = arith.mulf %slice3A_69, %slice3A_70 : vector<1024x8xf32>
      %slice3A_72 = vector.extract_strided_slice %mul3A_71 {offsets = [0, 0], sizes = [1024, 4], strides = [1, 1]} : vector<1024x8xf32> to vector<1024x4xf32>
      %slice3A_73 = vector.extract_strided_slice %mul3A_71 {offsets = [0, 4], sizes = [1024, 4], strides = [1, 1]} : vector<1024x8xf32> to vector<1024x4xf32>
      %mul3A_74 = arith.mulf %slice3A_72, %slice3A_73 : vector<1024x4xf32>
      %slice3A_75 = vector.extract_strided_slice %mul3A_74 {offsets = [0, 0], sizes = [1024, 2], strides = [1, 1]} : vector<1024x4xf32> to vector<1024x2xf32>
      %slice3A_76 = vector.extract_strided_slice %mul3A_74 {offsets = [0, 2], sizes = [1024, 2], strides = [1, 1]} : vector<1024x4xf32> to vector<1024x2xf32>
      %mul3A_77 = arith.mulf %slice3A_75, %slice3A_76 : vector<1024x2xf32>
      %slice3A_78 = vector.extract_strided_slice %mul3A_77 {offsets = [0, 0], sizes = [1024, 1], strides = [1, 1]} : vector<1024x2xf32> to vector<1024x1xf32>
      %slice3A_79 = vector.extract_strided_slice %mul3A_77 {offsets = [0, 1], sizes = [1024, 1], strides = [1, 1]} : vector<1024x2xf32> to vector<1024x1xf32>
      %mul3A_80 = arith.mulf %slice3A_78, %slice3A_79 : vector<1024x1xf32>
      %squeeze3A_81 = vector.shape_cast %mul3A_80 : vector<1024x1xf32> to vector<1024xf32>
      %sub3A_82 = arith.constant 1.000000e+00 : f32
      %sub3A_83 = vector.broadcast %sub3A_82 : f32 to vector<1024xf32>
      %sub3A_84 = arith.subf %sub3A_83, %squeeze3A_81 : vector<1024xf32>
      %sub3A_85 = arith.subf %neg3A_59, %sub3A_84 : vector<1024xf32>
      %swap3A = arith.index_cast %mul3A_26 : i32 to index
      %swap3A_86 = vector.load %arg3[%swap3A] : memref<8192xf32, #tpu.memory_space<vmem>>, vector<1024xf32>
      tpu.vector_store %arg3[%swap3A], %sub3A_85 {strides = array<i32>} : memref<8192xf32, #tpu.memory_space<vmem>>, vector<1024xf32>,
      %slice3A_87 = vector.extract_strided_slice %mul3A_36 {offsets = [0, 64], sizes = [1024, 32], strides = [1, 1]} : vector<1024x128xf32> to vector<1024x32xf32>
      %div3A_88 = vector.broadcast %mul3A_13 : f32 to vector<1024x32xf32>
      %div3A_89 = arith.divf %slice3A_87, %div3A_88 : vector<1024x32xf32>
      %sub3A_90 = arith.constant 1.000000e+00 : f32
      %sub3A_91 = vector.broadcast %sub3A_90 : f32 to vector<1024x32xf32>
      %sub3A_92 = arith.subf %sub3A_91, %div3A_89 : vector<1024x32xf32>
      %slice3A_93 = vector.extract_strided_slice %sub3A_92 {offsets = [0, 0], sizes = [1024, 16], strides = [1, 1]} : vector<1024x32xf32> to vector<1024x16xf32>
      %slice3A_94 = vector.extract_strided_slice %sub3A_92 {offsets = [0, 16], sizes = [1024, 16], strides = [1, 1]} : vector<1024x32xf32> to vector<1024x16xf32>
      %mul3A_95 = arith.mulf %slice3A_93, %slice3A_94 : vector<1024x16xf32>
      %slice3A_96 = vector.extract_strided_slice %mul3A_95 {offsets = [0, 0], sizes = [1024, 8], strides = [1, 1]} : vector<1024x16xf32> to vector<1024x8xf32>
      %slice3A_97 = vector.extract_strided_slice %mul3A_95 {offsets = [0, 8], sizes = [1024, 8], strides = [1, 1]} : vector<1024x16xf32> to vector<1024x8xf32>
      %mul3A_98 = arith.mulf %slice3A_96, %slice3A_97 : vector<1024x8xf32>
      %slice3A_99 = vector.extract_strided_slice %mul3A_98 {offsets = [0, 0], sizes = [1024, 4], strides = [1, 1]} : vector<1024x8xf32> to vector<1024x4xf32>
      %slice3A_100 = vector.extract_strided_slice %mul3A_98 {offsets = [0, 4], sizes = [1024, 4], strides = [1, 1]} : vector<1024x8xf32> to vector<1024x4xf32>
      %mul3A_101 = arith.mulf %slice3A_99, %slice3A_100 : vector<1024x4xf32>
      %slice3A_102 = vector.extract_strided_slice %mul3A_101 {offsets = [0, 0], sizes = [1024, 2], strides = [1, 1]} : vector<1024x4xf32> to vector<1024x2xf32>
      %slice3A_103 = vector.extract_strided_slice %mul3A_101 {offsets = [0, 2], sizes = [1024, 2], strides = [1, 1]} : vector<1024x4xf32> to vector<1024x2xf32>
      %mul3A_104 = arith.mulf %slice3A_102, %slice3A_103 : vector<1024x2xf32>
      %slice3A_105 = vector.extract_strided_slice %mul3A_104 {offsets = [0, 0], sizes = [1024, 1], strides = [1, 1]} : vector<1024x2xf32> to vector<1024x1xf32>
      %slice3A_106 = vector.extract_strided_slice %mul3A_104 {offsets = [0, 1], sizes = [1024, 1], strides = [1, 1]} : vector<1024x2xf32> to vector<1024x1xf32>
      %mul3A_107 = arith.mulf %slice3A_105, %slice3A_106 : vector<1024x1xf32>
      %squeeze3A_108 = vector.shape_cast %mul3A_107 : vector<1024x1xf32> to vector<1024xf32>
      %sub3A_109 = arith.constant 1.000000e+00 : f32
      %sub3A_110 = vector.broadcast %sub3A_109 : f32 to vector<1024xf32>
      %sub3A_111 = arith.subf %sub3A_110, %squeeze3A_108 : vector<1024xf32>
      %neg3A_112 = arith.constant 0.000000e+00 : f32
      %neg3A_113 = vector.broadcast %neg3A_112 : f32 to vector<1024xf32>
      %neg3A_114 = arith.subf %neg3A_113, %sub3A_111 : vector<1024xf32>
      %slice3A_115 = vector.extract_strided_slice %mul3A_36 {offsets = [0, 96], sizes = [1024, 32], strides = [1, 1]} : vector<1024x128xf32> to vector<1024x32xf32>
      %div3A_116 = vector.broadcast %mul3A_18 : f32 to vector<1024x32xf32>
      %div3A_117 = arith.divf %slice3A_115, %div3A_116 : vector<1024x32xf32>
      %sub3A_118 = arith.constant 1.000000e+00 : f32
      %sub3A_119 = vector.broadcast %sub3A_118 : f32 to vector<1024x32xf32>
      %sub3A_120 = arith.subf %sub3A_119, %div3A_117 : vector<1024x32xf32>
      %slice3A_121 = vector.extract_strided_slice %sub3A_120 {offsets = [0, 0], sizes = [1024, 16], strides = [1, 1]} : vector<1024x32xf32> to vector<1024x16xf32>
      %slice3A_122 = vector.extract_strided_slice %sub3A_120 {offsets = [0, 16], sizes = [1024, 16], strides = [1, 1]} : vector<1024x32xf32> to vector<1024x16xf32>
      %mul3A_123 = arith.mulf %slice3A_121, %slice3A_122 : vector<1024x16xf32>
      %slice3A_124 = vector.extract_strided_slice %mul3A_123 {offsets = [0, 0], sizes = [1024, 8], strides = [1, 1]} : vector<1024x16xf32> to vector<1024x8xf32>
      %slice3A_125 = vector.extract_strided_slice %mul3A_123 {offsets = [0, 8], sizes = [1024, 8], strides = [1, 1]} : vector<1024x16xf32> to vector<1024x8xf32>
      %mul3A_126 = arith.mulf %slice3A_124, %slice3A_125 : vector<1024x8xf32>
      %slice3A_127 = vector.extract_strided_slice %mul3A_126 {offsets = [0, 0], sizes = [1024, 4], strides = [1, 1]} : vector<1024x8xf32> to vector<1024x4xf32>
      %slice3A_128 = vector.extract_strided_slice %mul3A_126 {offsets = [0, 4], sizes = [1024, 4], strides = [1, 1]} : vector<1024x8xf32> to vector<1024x4xf32>
      %mul3A_129 = arith.mulf %slice3A_127, %slice3A_128 : vector<1024x4xf32>
      %slice3A_130 = vector.extract_strided_slice %mul3A_129 {offsets = [0, 0], sizes = [1024, 2], strides = [1, 1]} : vector<1024x4xf32> to vector<1024x2xf32>
      %slice3A_131 = vector.extract_strided_slice %mul3A_129 {offsets = [0, 2], sizes = [1024, 2], strides = [1, 1]} : vector<1024x4xf32> to vector<1024x2xf32>
      %mul3A_132 = arith.mulf %slice3A_130, %slice3A_131 : vector<1024x2xf32>
      %slice3A_133 = vector.extract_strided_slice %mul3A_132 {offsets = [0, 0], sizes = [1024, 1], strides = [1, 1]} : vector<1024x2xf32> to vector<1024x1xf32>
      %slice3A_134 = vector.extract_strided_slice %mul3A_132 {offsets = [0, 1], sizes = [1024, 1], strides = [1, 1]} : vector<1024x2xf32> to vector<1024x1xf32>
      %mul3A_135 = arith.mulf %slice3A_133, %slice3A_134 : vector<1024x1xf32>
      %squeeze3A_136 = vector.shape_cast %mul3A_135 : vector<1024x1xf32> to vector<1024xf32>
      %sub3A_137 = arith.constant 1.000000e+00 : f32
      %sub3A_138 = vector.broadcast %sub3A_137 : f32 to vector<1024xf32>
      %sub3A_139 = arith.subf %sub3A_138, %squeeze3A_136 : vector<1024xf32>
      %sub3A_140 = arith.subf %neg3A_114, %sub3A_139 : vector<1024xf32>
      %swap3A_141 = arith.index_cast %mul3A_26 : i32 to index
      %swap3A_142 = vector.load %arg4[%swap3A_141] : memref<8192xf32, #tpu.memory_space<vmem>>, vector<1024xf32>
      tpu.vector_store %arg4[%swap3A_141], %sub3A_140 {strides = array<i32>} : memref<8192xf32, #tpu.memory_space<vmem>>, vector<1024xf32>,
    }
    %scan3A_23 = arith.constant 8 : i32
    return
  }
}

</mosaic_0001>

<sc_bundles>
// kernel: kernel.4.cloned.1.call-start
scs
__scs_entry_jumppad:
0x0: {  	(pc) =	sbr.rel $0x88, $3  }
0x1: {  	(tag) =	ssettag $0x0;
	lr =	simm.s32 $0x1  }
0x2: {  	[smem:$0x3F9C] =	sst lr;
	_ =	strace $0xD0000000  }
0x3: {  	_ = 	snop  }
0x4: {  	_ = 	snop  }
0x5: {  	_ = 	snop  }
0x6: {  	_ = 	snop  }
0x7: {  	_ = 	snop  }
__scs_overlays_trampoline_lowered:
0x8: {  	[smem:$0x3FAB] =	sst s0  }
0x9: {  	[smem:$0x3FAC] =	sst s1  }
0xa: {  	[smem:$0x3FAD] =	sst s2  }
0xb: {  	[smem:$0x3FAE] =	sst s3  }
0xc: {  	[smem:$0x3FAF] =	sst s4  }
0xd: {  	[smem:$0x3FB0] =	sst s5  }
0xe: {  	[smem:$0x3FB1] =	sst s6  }
0xf: {  	[smem:$0x3FB2] =	sst s7  }
0x10: {  	[smem:$0x3FB3] =	sst s8  }
0x11: {  	[smem:$0x3FB4] =	sst s9;
	s0 =	simm.s32 @!p0 $0x0  }
0x12: {  	s1 =	sld [smem:$0x3F9A];
	s0 =	simm.s32 @p0 $0x1  }
0x13: {  	[smem:$0x3FB5] =	sst s0;
	s0 =	simm.s32 @!p1 $0x0  }
0x14: {  	s2 =	sld [smem:$0x3F99];
	s0 =	simm.s32 @p1 $0x1  }
0x15: {  	[smem:$0x3FB6] =	sst s0;
	s0 =	simm.s32 @!p2 $0x0  }
0x16: {  	s3 =	sld [smem:$0x3FDB];
	s0 =	simm.s32 @p2 $0x1  }
0x17: {  	s4 =	simm.s32 $0x1BF5;
	[smem:$0x3FB8] =	sst s0  }
0x18: {  	s0 =	sld [smem:$0x3F9B];
	_ =	swait.ge [sflag:s4], $0x0  }
0x19: {  	s7 =	sld [smem:$0x3F9C]  }
0x1a: {  	s8 =	sadd.s32 $0xFFFFE003, lr  }
0x1b: {  	s9 =	sadd.s32 $0xFFFFFEF7, lr;
	s5 =	simm.s32 $0xFFFFFFFF;
	p2 =	slt.u32 s8, $0xFFFFF086  }
0x1c: {  	p1 =	slt.u32 s9, $0xF7A;
	s5 =	simm.s32 @!p2 $0x0  }
0x1d: {  	s5 =	simm.s32 @p1 $0x1;
	p0 =	seq.s32 s7, s2  }
0x1e: {  	s7 =	smul.u32 @!p0 $0xF7A, s2;
	p2 =	seq.s32 @!p0 s5, $0x0  }
0x1f: {  	s9 =	smul.u32 $0xF7A, s1;
	s8 =	simm.s32 @!p0 $0x1BF5;
	p2 =	por !p2, p0  }
0x20: {  	[sflag:s8] =	ssyncset.s32 @!p0 $0xFFFFF086;
	s6 =	sadd.s32 @!p0 s3, s7;
	s7 =	simm.s32 @!p0 $0x108  }
0x21: {  	s3 =	sadd.s32 s3, s9;
	s6 =	sadd.s32 @!p0 $0x88, s6;
	s7 =	simm.s32 @p2 $0x1082  }
0x22: {  	[simem:s7], [sflag:s8] =	dma.local @!p0 [hbm:s6], $0xF7A  }
0x23: {  	s9 =	sor.u32 $0xD0000000, s2;
	s6 =	simm.s32 $0x108;
	_ =	swait.ge @!p0 [sflag:s8], $0x0  }
0x24: {  	s3 =	sadd.s32 $0x88, s3;
	s6 =	simm.s32 @!p1 $0x1082;
	[sflag:s4] =	ssyncset.s32 $0xFFFFF086  }
0x25: {  	[simem:s6], [sflag:s4] =	dma.local [hbm:s3], $0xF7A  }
0x26: {  	[smem:$0x3F9C] =	sst s1;
	(tag) =	ssettag s2;
	_ =	strace s9  }
0x27: {  	s1 =	sld [smem:$0x3FAC]  }
0x28: {  	s2 =	sld [smem:$0x3FAD]  }
0x29: {  	s4 =	sld [smem:$0x3FAF]  }
0x2a: {  	p0 =	seq.s32 s5, $0x0;
	s5 =	sld [smem:$0x3FB0]  }
0x2b: {  	s6 =	sld [smem:$0x3FB1]  }
0x2c: {  	s7 =	sld [smem:$0x3FB2]  }
0x2d: {  	s3 =	simm.s32 $0x108;
	s8 =	sld [smem:$0x3FB3]  }
0x2e: {  	s3 =	simm.s32 @!p0 $0x1082;
	s9 =	sld [smem:$0x3FB4]  }
0x2f: {  	lr =	sadd.s32 s0, s3;
	s0 =	sld [smem:$0x3FAB]  }
0x30: {  	s3 =	sld [smem:$0x3FAE]  }
0x31: {  	[smem:$0x3FB7] =	sst s10  }
0x32: {  	s10 =	sld [smem:$0x3FB5];
	_ =	sdelay $0x3  }
0x33: {  	p0 =	seq.s32 s10, $0x1;
	s10 =	sld [smem:$0x3FB7];
	_ =	sdelay $0x3  }
0x34: {  	[smem:$0x3FB7] =	sst s10  }
0x35: {  	s10 =	sld [smem:$0x3FB6];
	_ =	sdelay $0x3  }
0x36: {  	p1 =	seq.s32 s10, $0x1;
	s10 =	sld [smem:$0x3FB7];
	_ =	sdelay $0x3  }
0x37: {  	[smem:$0x3FB7] =	sst s10  }
0x38: {  	s10 =	sld [smem:$0x3FB8]  }
0x39: {  	_ = 	snop;
	(pc) =	sbr.ind lr, $3  }
0x3a: {  	_ = 	snop  }
0x3b: {  	_ = 	snop  }
0x3c: {  	p2 =	seq.s32 s10, $0x1;
	s10 =	sld [smem:$0x3FB7]  }
0x3d: {  	_ =	shalt  }
0x3e: {  	_ =	shalt  }
0x3f: {  	_ =	shalt  }
0x40: {  	_ =	shalt  }
0x41: {  	_ =	shalt  }
0x42: {  	_ =	shalt  }
0x43: {  	_ =	shalt  }
0x44: {  	_ =	shalt  }
0x45: {  	_ =	shalt  }
0x46: {  	_ =	shalt  }
0x47: {  	_ =	shalt  }
0x48: {  	_ =	shalt  }
0x49: {  	_ =	shalt  }
0x4a: {  	_ =	shalt  }
0x4b: {  	_ =	shalt  }
0x4c: {  	_ =	shalt  }
0x4d: {  	_ =	shalt  }
0x4e: {  	_ =	shalt  }
0x4f: {  	_ =	shalt  }
0x50: {  	_ =	shalt  }
0x51: {  	_ =	shalt  }
0x52: {  	_ =	shalt  }
0x53: {  	_ =	shalt  }
0x54: {  	_ =	shalt  }
0x55: {  	_ =	shalt  }
0x56: {  	_ =	shalt  }
0x57: {  	_ =	shalt  }
0x58: {  	_ =	shalt  }
0x59: {  	_ =	shalt  }
0x5a: {  	_ =	shalt  }
0x5b: {  	_ =	shalt  }
0x5c: {  	_ =	shalt  }
0x5d: {  	_ =	shalt  }
0x5e: {  	_ =	shalt  }
0x5f: {  	_ =	shalt  }
0x60: {  	_ =	shalt  }
0x61: {  	_ =	shalt  }
0x62: {  	_ =	shalt  }
0x63: {  	_ =	shalt  }
0x64: {  	_ =	shalt  }
0x65: {  	_ =	shalt  }
0x66: {  	_ =	shalt  }
0x67: {  	_ =	shalt  }
0x68: {  	_ =	shalt  }
0x69: {  	_ =	shalt  }
0x6a: {  	_ =	shalt  }
0x6b: {  	_ =	shalt  }
0x6c: {  	_ =	shalt  }
0x6d: {  	_ =	shalt  }
0x6e: {  	_ =	shalt  }
0x6f: {  	_ =	shalt  }
0x70: {  	_ =	shalt  }
0x71: {  	_ =	shalt  }
0x72: {  	_ =	shalt  }
0x73: {  	_ =	shalt  }
0x74: {  	_ =	shalt  }
0x75: {  	_ =	shalt  }
0x76: {  	_ =	shalt  }
0x77: {  	_ =	shalt  }
0x78: {  	_ =	shalt  }
0x79: {  	_ =	shalt  }
0x7a: {  	_ =	shalt  }
0x7b: {  	_ =	shalt  }
0x7c: {  	_ =	shalt  }
0x7d: {  	_ =	shalt  }
0x7e: {  	_ =	shalt  }
0x7f: {  	_ =	shalt  }
0x80: {  	_ =	shalt  }
0x81: {  	_ =	shalt  }
0x82: {  	_ =	shalt  }
0x83: {  	_ =	shalt  }
0x84: {  	_ =	shalt  }
0x85: {  	_ =	shalt  }
0x86: {  	_ =	shalt  }
0x87: {  	_ =	shalt  }
.Lfunc_end0:
.L_simem_size_0:
called_computation_lowered:
.L_overlay_start_0:
0x88: {  	s2 =	sld [smem:$0x3FD9]  }
0x89: {  	s3 =	sld [smem:$0x3FFE];
	_ =	sdelay $0x1  }
0x8a: {  	s1 =	srdreg.scid  }
0x8b: {  	s0 =	sand.u32 $0x1, s1  }
0x8c: {  	s17 =	sshll.u32 s0, $0xA;
	s2 =	sadd.s32 s3, s2  }
0x8d: {  	s2 =	sadd.s32 s2, s17  }
0x8e: {  	[smem:$0x3FC3] =	sst s2  }
0x8f: {  	_ = 	snop  }
0x90: {  	s2 =	sld [smem:$0x3FC7]  }
0x91: {  	s18 =	sld [smem:$0x3FC6]  }
0x92: {  	s4 =	sld [smem:$0x3FC5];
	(tm) =	ssettm $0x1  }
0x93: {  	s5 =	sld [smem:$0x3FFB];
	_ =	sdelay $0x3  }
0x94: {  	_ =	strace s5  }
0x95: {  	s5 =	sld [smem:$0x3FFC];
	_ =	sdelay $0x3  }
0x96: {  	_ =	strace s5  }
0x97: {  	s5 =	sld [smem:$0x3FFD];
	_ =	sdelay $0x3  }
0x98: {  	_ =	strace s5  }
0x99: {  	_ =	strace $0x8FFFFFFF  }
0x9a: {  	s19 =	sld [smem:$0x3FDB];
	_ =	sdelay $0x1  }
0x9b: {  	s6 =	simm.s32 $_scs_section_size  }
0x9c: {  	s7 =	simm.s32 $_size__tile_overlayer_lowered;
	s8 =	simm.s32 $_tile_overlayer_lowered  }
0x9d: {  	s22 =	simm.s32 $0x1BFF;
	s21 =	sshll.u32 s8, $0x1;
	s5 =	sadd.s32 s6, s19  }
0x9e: {  	s9 =	simm.s32 $0x0;
	s20 =	sshll.u32 s7, $0x1;
	s7 =	sadd.s32 s21, s5  }
0x9f: {  	[timem:s9], [sflag:s22] =	dma.local [hbm:s7], s20  }
0xa0: {  	_ =	swait.ge [sflag:s22], s20  }
0xa1: {  	s6 =	ssub.s32 $0x0, s20;
	[sflag:s22] =	ssyncset.done $0x0  }
0xa2: {  	[sflag:s22] =	ssyncadd.s32 s6;
	_ =	sdelay $0x1  }
0xa3: {  	s23 =	simm.s32 $0x1B8B  }
0xa4: {  	_ =	swait.ge [sflag:s23], $0x1  }
0xa5: {  	[sflag:s23] =	ssyncset.done $0x0  }
0xa6: {  	s25 =	simm.s32 $0x1B8E;
	s24 =	sld [smem:$0x3FFE];
	[sflag:s23] =	ssyncadd.s32 $0xFFFFFFFF  }
0xa7: {  	s26 =	simm.s32 $execute0_lowered;
	[smem:$0x3FD2] =	sst s25  }
0xa8: {  	s7 =	sshll.u32 s26, $0x1;
	_ =	strace $0x80000046;
	[dreg:$0x1] =	wrdreg $0xFFFFFFFF  }
0xa9: {  	s28 =	simm.s32 $_size_execute0_lowered;
	s5 =	sadd.s32 s5, s7;
	[dreg:$0x0] =	wrdreg $0x0  }
0xaa: {  	s7 =	sshll.u32 s28, $0x1;
	[dreg:$0x2] =	wrdreg s5  }
0xab: {  	[dreg:$0x3] =	wrdreg s7  }
0xac: {  	[dreg:$0x4] =	wrdreg $0xC0  }
0xad: {  	_ =	task [dreg:s9], $0x5FFFF  }
0xae: {  	[dreg:$0x1] =	wrdreg $0xFFFFFFFF  }
0xaf: {  	[dreg:$0x0] =	wrdreg $0x60  }
0xb0: {  	[dreg:$0x2] =	wrdreg s24  }
0xb1: {  	[dreg:$0x3] =	wrdreg s2  }
0xb2: {  	[dreg:$0x4] =	wrdreg s18  }
0xb3: {  	[dreg:$0x5] =	wrdreg s4  }
0xb4: {  	[dreg:$0x6] =	wrdreg $0x9  }
0xb5: {  	_ =	task.clear_ibuf [dreg:s9], $0x7FFFF;
	_ =	strace $0x90000046  }
0xb6: {  	s29 =	simm.s32 $0x9;
	_ =	strace $0x80000048  }
0xb7: {  	_ =	swait.ge [sflag:s29], $0x1  }
0xb8: {  	[sflag:s29] =	ssyncadd.s32 $0xFFFFFFFF  }
0xb9: {  	_ =	strace $0x90000048  }
0xba: {  	_ =	sfence  }
0xbb: {  	s30 =	sld [smem:$0x0];
	_ =	sdelay $0x2  }
0xbc: {  	s31 =	sshll.u32 s1, $0xD;
	s1 =	sshrl.u32 s1, $0x2  }
0xbd: {  	s3 =	sand.u32 $0x4000, s31;
	s1 =	sadd.s32 s1, s30  }
0xbe: {  	s0 =	sor.u32 s3, s0;
	s1 =	sshll.u32 s1, $0x11  }
0xbf: {  	s0 =	sor.u32 s1, s0  }
0xc0: {  	s0 =	sadd.s32 $0x8F2B, s0  }
0xc1: {  	[sflag:s0] =	ssyncadd.remote.s32 $0x1  }
0xc2: {  	_ =	sfence.sel $0xFFFF  }
0xc3: {  	[dreg:$0x0] =	wrdreg $0xFFFFFFFF;
	(pc) =	sbr.abs _section_cstart, $3  }
0xc4: {  	[dreg:$0x1] =	wrdreg $0xFFFFFFFF  }
0xc5: {  	_ =	task.clear_ibuf [dreg:s9], $0x2FFFF;
	_ =	strace $0x9FFFFFFF  }
0xc6: {  	(tm) =	ssettm $0x7FFFFFFF  }
0xc7: {  	_ =	shalt  }
tec
execute0_lowered:
.L_overlay_start_1:
0x0: {  	(tag) =	ssettag $0x1  }
0x1: {  	s15 =	rddreg [dreg:$0x0]  }
0x2: {  	s3 =	rddreg [dreg:$0x1];
	s1 =	srdreg.scid  }
0x3: {  	s5 =	rddreg [dreg:$0x2];
	s0 =	stileid.u32;
	s18 =	sand.u32 $0x1, s1  }
0x4: {  	s7 =	rddreg [dreg:$0x3];
	s4 =	sshll.u32 s0, $0xA;
	s6 =	sshll.u32 s18, $0x9  }
0x5: {  	s2 =	simm.s32 $0x0;
	s1 =	rddreg [dreg:$0x4];
	s16 =	sor.u32 s6, s4  }
0x6: {  	[smem:$0x7FF] =	sst s2;
	s8 =	sshrl.u32 s16, $0x3  }
0x7: {  	_ =	strace $0x80000047;
	s4 =	sadd.s32 s3, s8;
	s3 =	simm.s32 $0x4  }
0x8: {  	[tilespmem:s2], [sflag:$0x4] =	stream.linear.gather [hbm4b:s4+s2], $0x200, $0x38;
	[tilespmem:$0x18600] =	vst v63  }
0x9: {  	_ =	swait.ge [sflag:s3], $0x200  }
0xa: {  	[sflag:s3] =	ssyncset.done $0x0  }
0xb: {  	s6 =	simm.s32 $0x200;
	s5 =	sadd.s32 s5, s8;
	[sflag:s3] =	ssyncadd.s32 $0xFFFFFE00  }
0xc: {  	[tilespmem:s6], [sflag:$0x4] =	stream.linear.gather [hbm4b:s5+s2], $0x200, $0x38;
	[tilespmem:$0x18600] =	vst v63  }
0xd: {  	_ =	swait.ge [sflag:s3], $0x200  }
0xe: {  	[sflag:s3] =	ssyncset.done $0x0  }
0xf: {  	s7 =	sadd.s32 s7, s8;
	s8 =	simm.s32 $0x400;
	[sflag:s3] =	ssyncadd.s32 $0xFFFFFE00  }
0x10: {  	[tilespmem:s8], [sflag:$0x4] =	stream.linear.gather [hbm4b:s7+s2], $0x200, $0x38;
	[tilespmem:$0x18600] =	vst v63  }
0x11: {  	_ =	swait.ge [sflag:s3], $0x200  }
0x12: {  	[sflag:s3] =	ssyncset.done $0x0  }
0x13: {  	s10 =	simm.s32 $0x600;
	s9 =	sadd.s32 $0xF43600, s15;
	[sflag:s3] =	ssyncadd.s32 $0xFFFFFE00  }
0x14: {  	[tilespmem:s10], [sflag:$0x1] =	stream.indirect.gather [hbm4b:s9+s6], $0x40, s2, s6, $0xb8;
	[tilespmem:$0x18600] =	vst v63  }
0x15: {  	s11 =	simm.s32 $0x8600  }
0x16: {  	[tilespmem:s11], [sflag:$0x2] =	stream.indirect.gather [hbm4b:s9+s6], $0x40, s6, s6, $0xb8;
	[tilespmem:$0x18600] =	vst v63  }
0x17: {  	s13 =	simm.s32 $0x10600;
	s14 =	simm.s32 $0x1;
	s12 =	sadd.s32 $0x1200, s15  }
0x18: {  	[tilespmem:s13], [sflag:$0x3] =	stream.indirect.gather [hbm4b:s12+s6], $0x40, s8, s6, $0xb8;
	[tilespmem:$0x18600] =	vst v63  }
0x19: {  	s16 =	sshll.u32 s16, $0x3;
	_ =	swait.ge [sflag:s14], $0x8000  }
0x1a: {  	s19 =	sadd.s32 s16, s15;
	[sflag:s14] =	ssyncset.done $0x0  }
0x1b: {  	s15 =	sadd.s32 $0x3200, s19;
	[sflag:s14] =	ssyncadd.s32 $0xFFFF8000  }
0x1c: {  	[hbm4b:s15+s2] =	stream.linear.scatter [tilespmem:s10], [sflag:$0x4], $0x8000, $0x38;
	[tilespmem:$0x18600] =	vst v63  }
0x1d: {  	_ =	swait.ge [sflag:s3], $0x8000  }
0x1e: {  	[sflag:s3] =	ssyncset.done $0x0  }
0x1f: {  	s16 =	simm.s32 $0x2;
	[sflag:s3] =	ssyncadd.s32 $0xFFFF8000  }
0x20: {  	_ =	swait.ge [sflag:s16], $0x8000  }
0x21: {  	[sflag:s16] =	ssyncset.done $0x0  }
0x22: {  	s20 =	ssub.s32 $0x2, s18;
	s17 =	sadd.s32 $0x23200, s19;
	[sflag:s16] =	ssyncadd.s32 $0xFFFF8000  }
0x23: {  	[hbm4b:s17+s2] =	stream.linear.scatter [tilespmem:s11], [sflag:$0x4], $0x8000, $0x38;
	[tilespmem:$0x18600] =	vst v63  }
0x24: {  	s21 =	sshrl.u32 s20, $0x1;
	_ =	swait.ge [sflag:s3], $0x8000  }
0x25: {  	s20 =	ssub.s32 s20, s21;
	[sflag:s3] =	ssyncset.done $0x0  }
0x26: {  	s18 =	simm.s32 $0x3;
	s20 =	smax.u32 s20, $0x1;
	[sflag:s3] =	ssyncadd.s32 $0xFFFF8000  }
0x27: {  	p0 =	sne.s32 s20, $0x1;
	_ =	swait.ge [sflag:s18], $0x8000  }
.Ltmp0:
0x28: {  	[sflag:s18] =	ssyncset.done $0x0;
	(pc) =	sbr.rel @!p0 .LBB2_2-.Ltmp0, $4  }
0x29: {  	s19 =	sadd.s32 $0x43200, s19;
	[sflag:s18] =	ssyncadd.s32 $0xFFFF8000  }
0x2a: {  	[hbm4b:s19+s2] =	stream.linear.scatter [tilespmem:s13], [sflag:$0x4], $0x8000, $0x38;
	[tilespmem:$0x18600] =	vst v63  }
0x2b: {  	_ =	swait.ge [sflag:s3], $0x8000  }
0x2c: {  	s20 =	sadd.s32 $0xFFFFFFFF, s20;
	[sflag:s3] =	ssyncset.done $0x0  }
.LBB2_1:
0x2d: {  	p0 =	sne.s32 s20, $0x1;
	s20 =	sadd.s32 $0xFFFFFFFF, s20;
	[sflag:s3] =	ssyncadd.s32 $0xFFFF8000  }
0x2e: {  	[tilespmem:s2], [sflag:$0x4] =	stream.linear.gather [hbm4b:s4+s2], $0x200, $0x38;
	[tilespmem:$0x18600] =	vst v63  }
0x2f: {  	_ =	swait.ge [sflag:s3], $0x200  }
0x30: {  	[sflag:s3] =	ssyncset.done $0x0  }
0x31: {  	[sflag:s3] =	ssyncadd.s32 $0xFFFFFE00  }
0x32: {  	[tilespmem:s6], [sflag:$0x4] =	stream.linear.gather [hbm4b:s5+s2], $0x200, $0x38;
	[tilespmem:$0x18600] =	vst v63  }
0x33: {  	_ =	swait.ge [sflag:s3], $0x200  }
0x34: {  	[sflag:s3] =	ssyncset.done $0x0  }
0x35: {  	[sflag:s3] =	ssyncadd.s32 $0xFFFFFE00  }
0x36: {  	[tilespmem:s8], [sflag:$0x4] =	stream.linear.gather [hbm4b:s7+s2], $0x200, $0x38;
	[tilespmem:$0x18600] =	vst v63  }
0x37: {  	_ =	swait.ge [sflag:s3], $0x200  }
0x38: {  	[sflag:s3] =	ssyncset.done $0x0  }
0x39: {  	[sflag:s3] =	ssyncadd.s32 $0xFFFFFE00  }
0x3a: {  	[tilespmem:s10], [sflag:$0x1] =	stream.indirect.gather [hbm4b:s9+s6], $0x40, s2, s6, $0xb8;
	[tilespmem:$0x18600] =	vst v63  }
0x3b: {  	_ = 	snop  }
0x3c: {  	[tilespmem:s11], [sflag:$0x2] =	stream.indirect.gather [hbm4b:s9+s6], $0x40, s6, s6, $0xb8;
	[tilespmem:$0x18600] =	vst v63  }
0x3d: {  	_ = 	snop  }
0x3e: {  	[tilespmem:s13], [sflag:$0x3] =	stream.indirect.gather [hbm4b:s12+s6], $0x40, s8, s6, $0xb8;
	[tilespmem:$0x18600] =	vst v63  }
0x3f: {  	_ =	swait.ge [sflag:s14], $0x8000  }
0x40: {  	[sflag:s14] =	ssyncset.done $0x0  }
0x41: {  	[sflag:s14] =	ssyncadd.s32 $0xFFFF8000  }
0x42: {  	[hbm4b:s15+s2] =	stream.linear.scatter [tilespmem:s10], [sflag:$0x4], $0x8000, $0x38;
	[tilespmem:$0x18600] =	vst v63  }
0x43: {  	_ =	swait.ge [sflag:s3], $0x8000  }
0x44: {  	[sflag:s3] =	ssyncset.done $0x0  }
0x45: {  	[sflag:s3] =	ssyncadd.s32 $0xFFFF8000  }
0x46: {  	_ =	swait.ge [sflag:s16], $0x8000  }
0x47: {  	[sflag:s16] =	ssyncset.done $0x0  }
0x48: {  	[sflag:s16] =	ssyncadd.s32 $0xFFFF8000  }
0x49: {  	[hbm4b:s17+s2] =	stream.linear.scatter [tilespmem:s11], [sflag:$0x4], $0x8000, $0x38;
	[tilespmem:$0x18600] =	vst v63  }
0x4a: {  	_ =	swait.ge [sflag:s3], $0x8000  }
0x4b: {  	[sflag:s3] =	ssyncset.done $0x0  }
0x4c: {  	[sflag:s3] =	ssyncadd.s32 $0xFFFF8000  }
0x4d: {  	_ =	swait.ge [sflag:s18], $0x8000  }
.Ltmp1:
0x4e: {  	[sflag:s18] =	ssyncset.done $0x0;
	(pc) =	sbr.rel @p0 .LBB2_1-.Ltmp1, $4  }
0x4f: {  	[sflag:s18] =	ssyncadd.s32 $0xFFFF8000  }
0x50: {  	[hbm4b:s19+s2] =	stream.linear.scatter [tilespmem:s13], [sflag:$0x4], $0x8000, $0x38;
	[tilespmem:$0x18600] =	vst v63  }
0x51: {  	_ =	swait.ge [sflag:s3], $0x8000  }
0x52: {  	[sflag:s3] =	ssyncset.done $0x0  }
.LBB2_2:
0x53: {  	[sflag:s3] =	ssyncadd.s32 $0xFFFF8000  }
0x54: {  	_ =	sfence.sel $0x180000  }
0x55: {  	[bflag:$0x0] =	sbarrier.arrive $0xFFFF  }
0x56: {  	p0 =	sne.s32 s0, $0x0;
	_ =	strace $0x90000047  }
0x57: {  	s0 =	sadd.s32 @!p0 $0x100000, s1;
	[bflag:$0x2] =	sbarrier.arrive $0xFFFF  }
0x58: {  	[sflag:s0] =	ssyncadd.tile.s32 @!p0 $0x1;
	_ =	shalt  }
.Lfunc_end2:
_tile_overlayer_lowered:
.L_overlay_start_2:
0x59: {  	(tag) =	ssettag $0x2  }
0x5a: {  	s0 =	rddreg [dreg:$0x0];
	s2 =	stileid.u32  }
0x5b: {  	s1 =	rddreg [dreg:$0x1];
	p0 =	sne.s32 s2, $0x0  }
0x5c: {  	s3 =	rddreg [dreg:$0x2];
	[bflag:$0x3] =	sbarrier.arrive $0xFFFF;
	s2 =	simm.s32 @!p0 $0x1C04  }
0x5d: {  	[timem:s3], [sflag:s2] =	dma.local @!p0 [hbm:s0], s1  }
0x5e: {  	s0 =	simm.s32 @!p0 $0x4  }
0x5f: {  	_ =	swait.ge @!p0 [sflag:s0], s1  }
0x60: {  	s1 =	ssub.s32 @!p0 $0x0, s1;
	[sflag:s0] =	ssyncset.done @!p0 $0x0  }
0x61: {  	[sflag:s0] =	ssyncadd.s32 @!p0 s1  }
0x62: {  	[bflag:$0x3] =	sbarrier.arrive $0xFFFF  }
0x63: {  	_ =	shalt  }

</sc_bundles>
